<compile_context>
chip_gen: v7x
topology: tpu7x:2x2x1
jax: 0.10.2.dev20260603
libtpu: 0.0.44.dev20260713+nightly
codegen_flags: <defaults>
</compile_context>

<pallas_src>
import functools

import jax
import jax.numpy as jnp
from jax import lax
from jax.experimental import pallas as pl
from jax.experimental.pallas import tpu as pltpu
from jax.experimental.pallas import tpu_sc as plsc

NUM_CODES = 8192
DIM = 32
BETA = 0.25
B = 8192

KT = 512
NK = NUM_CODES // KT

NW = 32
BPW = B // NW


TILES_PER_CHUNK = 2048 // KT


def _argmin_body(z_ref, z2_ref, cb_ref, idx_ref,
                 gbest_ref, gidx_ref, cbest_ref, cidx_ref):
    k = pl.program_id(0)

    @pl.when(k == 0)
    def _init():
        gbest_ref[...] = jnp.full((1, B), jnp.inf, dtype=jnp.float32)
        gidx_ref[...] = jnp.zeros((1, B), dtype=jnp.int32)

    cb = cb_ref[...]
    e2 = jnp.sum(cb * cb, axis=1, keepdims=True)
    zm2 = (z_ref[...] * -2.0).astype(jnp.bfloat16)
    zem2 = lax.dot_general(
        cb.astype(jnp.bfloat16), zm2,
        dimension_numbers=(((1,), (1,)), ((), ())),
        preferred_element_type=jnp.float32,
    )
    d = (z2_ref[...] + e2) + zem2
    m = jnp.min(d, axis=0, keepdims=True)
    gidx = k * KT + lax.broadcasted_iota(jnp.int32, (KT, B), 0)
    midx = jnp.min(jnp.where(d == m, gidx, jnp.int32(2**30)),
                   axis=0, keepdims=True)

    @pl.when(k % TILES_PER_CHUNK == 0)
    def _chunk_init():
        cbest_ref[...] = m
        cidx_ref[...] = midx

    @pl.when(k % TILES_PER_CHUNK != 0)
    def _chunk_acc():
        take = m < cbest_ref[...]
        cidx_ref[...] = jnp.where(take, midx, cidx_ref[...])
        cbest_ref[...] = jnp.where(take, m, cbest_ref[...])

    @pl.when(k % TILES_PER_CHUNK == TILES_PER_CHUNK - 1)
    def _chunk_merge():
        cm = cbest_ref[...]
        gtake = cm < gbest_ref[...]
        gidx_ref[...] = jnp.where(gtake, cidx_ref[...], gidx_ref[...])
        cm_bf = cm.astype(jnp.bfloat16).astype(jnp.float32)
        gbest_ref[...] = jnp.where(gtake, cm_bf, gbest_ref[...])

    @pl.when(k == NK - 1)
    def _emit():
        idx_ref[...] = gidx_ref[...]


def _argmin_indices(z, z2, codebook):
    return pl.pallas_call(
        _argmin_body,
        grid=(NK,),
        in_specs=[
            pl.BlockSpec((B, DIM), lambda k: (0, 0)),
            pl.BlockSpec((1, B), lambda k: (0, 0)),
            pl.BlockSpec((KT, DIM), lambda k: (k, 0)),
        ],
        out_specs=pl.BlockSpec((1, B), lambda k: (0, 0)),
        out_shape=jax.ShapeDtypeStruct((1, B), jnp.int32),
        scratch_shapes=[
            pltpu.VMEM((1, B), jnp.float32),
            pltpu.VMEM((1, B), jnp.int32),
            pltpu.VMEM((1, B), jnp.float32),
            pltpu.VMEM((1, B), jnp.int32),
        ],
        compiler_params=pltpu.CompilerParams(
            dimension_semantics=("arbitrary",),
        ),
    )(z, z2, codebook)


def _sc_body(idx_hbm, cb_hbm, q_hbm, counts_hbm, idx_v, rows_v, counts_v, sem):
    wid = lax.axis_index("s") * 2 + lax.axis_index("c")
    base = wid * BPW
    pltpu.sync_copy(idx_hbm.at[pl.ds(base, BPW)], idx_v)
    pltpu.async_copy(cb_hbm.at[idx_v], rows_v, sem).wait()
    pltpu.sync_copy(rows_v, q_hbm.at[pl.ds(base, BPW)])

    zeros16 = jnp.zeros((16,), jnp.float32)

    def _zero(i, carry):
        counts_v[pl.ds(i * 16, 16)] = zeros16
        return carry

    lax.fori_loop(0, NUM_CODES // 16, _zero, 0)

    ones16 = jnp.ones((16,), jnp.float32)

    def _hist(j, carry):
        iv = idx_v[pl.ds(j * 16, 16)]
        plsc.addupdate_scatter(counts_v, [iv], ones16)
        return carry

    lax.fori_loop(0, BPW // 16, _hist, 0)
    pltpu.sync_copy(counts_v, counts_hbm.at[wid])


def _sc_gather_hist(indices, codebook):
    mesh = plsc.VectorSubcoreMesh(core_axis_name="c", subcore_axis_name="s")
    fn = functools.partial(
        pl.kernel,
        mesh=mesh,
        out_type=[
            jax.ShapeDtypeStruct((B, DIM), jnp.float32),
            jax.ShapeDtypeStruct((NW, NUM_CODES), jnp.float32),
        ],
        scratch_types=[
            pltpu.VMEM((BPW,), jnp.int32),
            pltpu.VMEM((BPW, DIM), jnp.float32),
            pltpu.VMEM((NUM_CODES,), jnp.float32),
            pltpu.SemaphoreType.DMA,
        ],
        compiler_params=pltpu.CompilerParams(
            needs_layout_passes=False, use_tc_tiling_on_sc=False,
        ),
    )(_sc_body)
    return fn(indices, codebook)


def _final_body(z_ref, q_ref, counts_ref, qst_ref, commit_ref, ent_ref,
                used_ref):
    z = z_ref[...]
    q = q_ref[...]
    qst_ref[...] = z + (q - z)
    diff = z - q
    commit_ref[0, 0] = BETA * (jnp.sum(diff * diff) / (B * DIM))
    c = jnp.sum(counts_ref[...], axis=0)
    usage = c / B + 1e-10
    ent_ref[0, 0] = -jnp.sum(usage * jnp.log(usage))
    used_ref[0, 0] = jnp.sum((c > 0).astype(jnp.int32))


def _finalize(z, q, counts):
    return pl.pallas_call(
        _final_body,
        in_specs=[
            pl.BlockSpec((B, DIM), lambda: (0, 0)),
            pl.BlockSpec((B, DIM), lambda: (0, 0)),
            pl.BlockSpec((NW, NUM_CODES), lambda: (0, 0)),
        ],
        out_specs=[
            pl.BlockSpec((B, DIM), lambda: (0, 0)),
            pl.BlockSpec(memory_space=pltpu.SMEM),
            pl.BlockSpec(memory_space=pltpu.SMEM),
            pl.BlockSpec(memory_space=pltpu.SMEM),
        ],
        out_shape=[
            jax.ShapeDtypeStruct((B, DIM), jnp.float32),
            jax.ShapeDtypeStruct((1, 1), jnp.float32),
            jax.ShapeDtypeStruct((1, 1), jnp.float32),
            jax.ShapeDtypeStruct((1, 1), jnp.int32),
        ],
    )(z, q, counts)


def kernel(z, codebook):
    z2 = jnp.sum(z ** 2, axis=-1)[None, :]
    idx2d = _argmin_indices(z, z2, codebook)
    indices = idx2d[0]
    q, counts = _sc_gather_hist(indices, codebook)
    qst, commit, ent, used = _finalize(z, q, counts)
    return (qst, indices, commit[0, 0], ent[0, 0], used[0, 0])

# --- scband reference (transcript-rebuilt; emitter-appended) ---
"""Pipeline reference for scband-vector-quantizer-30227979829420 (READ-ONLY COPY).

The authoritative reference and input builder live on the scoring server;
editing this copy changes nothing except your own understanding.
"""

import jax, jax.numpy as jnp
import numpy as np

NUM_CODES = 8192
DIM = 32
BETA = 0.25
B = 8192


def setup_inputs(seed: int = 0) -> dict:
    key = jax.random.key(seed)
    k1, k2 = jax.random.split(key)
    z = jax.random.normal(k1, (B, DIM), dtype=jnp.float32)
    codebook = jax.random.normal(k2, (NUM_CODES, DIM), dtype=jnp.float32) * (1.0 / NUM_CODES ** 0.5)
    return {"z": z, "codebook": codebook}


def reference(z, codebook):
    # Eval-mode forward of VectorQuantizer (EMA buffer updates are train-only state mutation).
    z2 = jnp.sum(z ** 2, axis=-1, keepdims=True)            # (B, 1)
    e2 = jnp.sum(codebook ** 2, axis=-1)[None, :]           # (1, K)
    ze = z @ codebook.T                                      # (B, K)
    dist = z2 + e2 - 2.0 * ze                                # (B, K)
    indices = jnp.argmin(dist, axis=-1)                      # (B,)
    one_hot = jax.nn.one_hot(indices, NUM_CODES, dtype=jnp.float32)  # (B, K)
    quantised = one_hot @ codebook                           # (B, D) == codebook[indices]
    # straight-through estimator
    quantised_st = z + jax.lax.stop_gradient(quantised - z)
    # commitment loss (ema=True branch: only beta * mse(z, sg(quantised)))
    commit = BETA * jnp.mean((z - jax.lax.stop_gradient(quantised)) ** 2)
    usage = jnp.mean(one_hot, axis=0) + 1e-10
    entropy = -jnp.sum(usage * jnp.log(usage))
    codes_used = jnp.sum(jnp.sum(one_hot, axis=0) > 0)
    return (quantised_st, indices, commit, entropy, codes_used)

if __name__ == "__main__":
    import jax
    _d = setup_inputs()
    print(jax.jit(kernel)(*tuple(_d.values())))

</pallas_src>

<mosaic_0001>
#map = affine_map<(d0, d1) -> (0)>
#map1 = affine_map<(d0, d1) -> (0, 0)>
module attributes {stable_mosaic.version = 14 : i64} {
  func.func @_sc_body(%arg0: i32, %arg1: i32, %arg2: memref<8192xi32, #tpu.memory_space<hbm>>, %arg3: memref<8192x32xf32, #tpu.memory_space<hbm>>, %arg4: memref<8192x32xf32, #tpu.memory_space<hbm>>, %arg5: memref<32x8192xf32, #tpu.memory_space<hbm>>, %arg6: memref<256xi32, #tpu.memory_space<vmem>>, %arg7: memref<256x32xf32, #tpu.memory_space<vmem>>, %arg8: memref<8192xf32, #tpu.memory_space<vmem>>, %arg9: memref<!tpu.dma_semaphore, #tpu.memory_space<semaphore_mem>>) attributes {dimension_semantics = [#tpu.dimension_semantics<core_parallel>, #tpu.dimension_semantics<subcore_parallel>], iteration_bounds = array<i64: 2, 16>, scalar_prefetch = 0 : i64, scratch_operands = 4 : i64, tpu.core_type = #tpu.core_type<sc_vector_subcore>, window_params = [{transform_indices = #map}, {transform_indices = #map1}, {transform_indices = #map1}, {transform_indices = #map1}]} {
    %mul3A = arith.constant 2 : i32
    %mul3A_0 = arith.muli %arg1, %mul3A : i32
    %add3A = arith.addi %mul3A_0, %arg0 : i32
    %mul3A_1 = arith.constant 256 : i32
    %mul3A_2 = arith.muli %add3A, %mul3A_1 : i32
    "tpu.region"() ({
      %run_scoped3A = tpu.sem_alloc : memref<!tpu.dma_semaphore, #tpu.memory_space<semaphore_mem>>
      %dma_start3A_21 = tpu.memref_slice %arg2[%mul3A_2] : memref<8192xi32, #tpu.memory_space<hbm>> -> memref<256xi32, #tpu.memory_space<hbm>>
      %dma_start3A_22 = tpu.memref_slice %arg2[%mul3A_2] : memref<8192xi32, #tpu.memory_space<hbm>> -> memref<256xi32, #tpu.memory_space<hbm>>
      tpu.enqueue_dma source(%dma_start3A_22 : memref<256xi32, #tpu.memory_space<hbm>>) target(%arg6 : memref<256xi32, #tpu.memory_space<vmem>>) target_semaphore(%run_scoped3A : memref<!tpu.dma_semaphore, #tpu.memory_space<semaphore_mem>>)
      %dma_wait3A_23 = tpu.memref_slice %arg2[%mul3A_2] : memref<8192xi32, #tpu.memory_space<hbm>> -> memref<256xi32, #tpu.memory_space<hbm>>
      %dma_wait3A_24 = tpu.memref_slice %arg2[%mul3A_2] : memref<8192xi32, #tpu.memory_space<hbm>> -> memref<256xi32, #tpu.memory_space<hbm>>
      tpu.wait_dma2 semaphore(%run_scoped3A : memref<!tpu.dma_semaphore, #tpu.memory_space<semaphore_mem>>) src(%dma_wait3A_24 : memref<256xi32, #tpu.memory_space<hbm>>) dst(%arg6 : memref<256xi32, #tpu.memory_space<vmem>>)
      tpu.yield
    }) : () -> ()
    %dma_start3A = arith.constant 0 : i32
    %dma_start3A_3 = arith.constant 0 : i32
    %dma_start3A_4 = tpu.memref_slice %arg3[%dma_start3A, %dma_start3A_3] : memref<8192x32xf32, #tpu.memory_space<hbm>> -> memref<8192x32xf32, #tpu.memory_space<hbm>>
    tpu.enqueue_indirect_dma source(%dma_start3A_4 : memref<8192x32xf32, #tpu.memory_space<hbm>>) target(%arg7 : memref<256x32xf32, #tpu.memory_space<vmem>>) offsets(%arg6 : memref<256xi32, #tpu.memory_space<vmem>>) semaphore(%arg9 : memref<!tpu.dma_semaphore, #tpu.memory_space<semaphore_mem>>)
    %dma_wait3A = arith.constant 0 : i32
    %dma_wait3A_5 = arith.constant 0 : i32
    %dma_wait3A_6 = tpu.memref_slice %arg3[%dma_wait3A, %dma_wait3A_5] : memref<8192x32xf32, #tpu.memory_space<hbm>> -> memref<8192x32xf32, #tpu.memory_space<hbm>>
    tpu.wait_indirect_dma semaphore(%arg9 : memref<!tpu.dma_semaphore, #tpu.memory_space<semaphore_mem>>) src(%dma_wait3A_6 : memref<8192x32xf32, #tpu.memory_space<hbm>>) dst(%arg7 : memref<256x32xf32, #tpu.memory_space<vmem>>)
    "tpu.region"() ({
      %run_scoped3A = tpu.sem_alloc : memref<!tpu.dma_semaphore, #tpu.memory_space<semaphore_mem>>
      %dma_start3A_21 = arith.constant 0 : i32
      %dma_start3A_22 = tpu.memref_slice %arg4[%mul3A_2, %dma_start3A_21] : memref<8192x32xf32, #tpu.memory_space<hbm>> -> memref<256x32xf32, #tpu.memory_space<hbm>>
      %dma_start3A_23 = arith.constant 0 : i32
      %dma_start3A_24 = tpu.memref_slice %arg4[%mul3A_2, %dma_start3A_23] : memref<8192x32xf32, #tpu.memory_space<hbm>> -> memref<256x32xf32, #tpu.memory_space<hbm>>
      tpu.enqueue_dma source(%arg7 : memref<256x32xf32, #tpu.memory_space<vmem>>) target(%dma_start3A_24 : memref<256x32xf32, #tpu.memory_space<hbm>>) target_semaphore(%run_scoped3A : memref<!tpu.dma_semaphore, #tpu.memory_space<semaphore_mem>>)
      %dma_wait3A_25 = arith.constant 0 : i32
      %dma_wait3A_26 = tpu.memref_slice %arg4[%mul3A_2, %dma_wait3A_25] : memref<8192x32xf32, #tpu.memory_space<hbm>> -> memref<256x32xf32, #tpu.memory_space<hbm>>
      %dma_wait3A_27 = arith.constant 0 : i32
      %dma_wait3A_28 = tpu.memref_slice %arg4[%mul3A_2, %dma_wait3A_27] : memref<8192x32xf32, #tpu.memory_space<hbm>> -> memref<256x32xf32, #tpu.memory_space<hbm>>
      tpu.wait_dma2 semaphore(%run_scoped3A : memref<!tpu.dma_semaphore, #tpu.memory_space<semaphore_mem>>) src(%arg7 : memref<256x32xf32, #tpu.memory_space<vmem>>) dst(%dma_wait3A_28 : memref<256x32xf32, #tpu.memory_space<hbm>>)
      tpu.yield
    }) : () -> ()
    %broadcast_in_dim3A = arith.constant 0.000000e+00 : f32
    %broadcast_in_dim3A_7 = vector.broadcast %broadcast_in_dim3A : f32 to vector<16xf32>
    %scan3A = arith.constant 0 : i32
    %scan3A_8 = arith.constant 0 : i32
    %scan3A_9 = arith.constant 512 : i32
    %scan3A_10 = arith.addi %scan3A_8, %scan3A_9 : i32
    %scan3A_11 = arith.constant 1 : i32
    scf.for %scan3A_21 = %scan3A_8 to %scan3A_10 step %scan3A_11  : i32 {
      %mul3A_22 = arith.constant 16 : i32
      %mul3A_23 = arith.muli %scan3A_21, %mul3A_22 : i32
      %swap3A = arith.index_cast %mul3A_23 : i32 to index
      %swap3A_24 = tpu.vector_load %arg8[%swap3A] {strides = array<i32>} : memref<8192xf32, #tpu.memory_space<vmem>>, vector<16xf32>,
      tpu.vector_store %arg8[%swap3A], %broadcast_in_dim3A_7 {strides = array<i32>} : memref<8192xf32, #tpu.memory_space<vmem>>, vector<16xf32>,
    }
    %scan3A_12 = arith.constant 512 : i32
    %broadcast_in_dim3A_13 = arith.constant 1.000000e+00 : f32
    %broadcast_in_dim3A_14 = vector.broadcast %broadcast_in_dim3A_13 : f32 to vector<16xf32>
    %scan3A_15 = arith.constant 0 : i32
    %scan3A_16 = arith.constant 0 : i32
    %scan3A_17 = arith.constant 16 : i32
    %scan3A_18 = arith.addi %scan3A_16, %scan3A_17 : i32
    %scan3A_19 = arith.constant 1 : i32
    scf.for %scan3A_21 = %scan3A_16 to %scan3A_18 step %scan3A_19  : i32 {
      %mul3A_22 = arith.constant 16 : i32
      %mul3A_23 = arith.muli %scan3A_21, %mul3A_22 : i32
      %get3A = arith.index_cast %mul3A_23 : i32 to index
      %get3A_24 = tpu.vector_load %arg6[%get3A] {strides = array<i32>} : memref<256xi32, #tpu.memory_space<vmem>>, vector<16xi32>,
      tpu.vector_store_idx %arg8[%get3A_24], %broadcast_in_dim3A_14 {add = true} : memref<8192xf32, #tpu.memory_space<vmem>>[vector<16xi32>], vector<16xf32>,
    }
    %scan3A_20 = arith.constant 16 : i32
    "tpu.region"() ({
      %run_scoped3A = tpu.sem_alloc : memref<!tpu.dma_semaphore, #tpu.memory_space<semaphore_mem>>
      %dma_start3A_21 = arith.constant 0 : i32
      %dma_start3A_22 = tpu.memref_slice %arg5[%add3A, %dma_start3A_21] : memref<32x8192xf32, #tpu.memory_space<hbm>> -> memref<1x8192xf32, #tpu.memory_space<hbm>>
      %dma_start3A_23 = tpu.memref_squeeze %dma_start3A_22 : memref<1x8192xf32, #tpu.memory_space<hbm>> -> memref<8192xf32, #tpu.memory_space<hbm>>
      %dma_start3A_24 = arith.constant 0 : i32
      %dma_start3A_25 = tpu.memref_slice %arg5[%add3A, %dma_start3A_24] : memref<32x8192xf32, #tpu.memory_space<hbm>> -> memref<1x8192xf32, #tpu.memory_space<hbm>>
      %dma_start3A_26 = tpu.memref_squeeze %dma_start3A_25 : memref<1x8192xf32, #tpu.memory_space<hbm>> -> memref<8192xf32, #tpu.memory_space<hbm>>
      tpu.enqueue_dma source(%arg8 : memref<8192xf32, #tpu.memory_space<vmem>>) target(%dma_start3A_26 : memref<8192xf32, #tpu.memory_space<hbm>>) target_semaphore(%run_scoped3A : memref<!tpu.dma_semaphore, #tpu.memory_space<semaphore_mem>>)
      %dma_wait3A_27 = arith.constant 0 : i32
      %dma_wait3A_28 = tpu.memref_slice %arg5[%add3A, %dma_wait3A_27] : memref<32x8192xf32, #tpu.memory_space<hbm>> -> memref<1x8192xf32, #tpu.memory_space<hbm>>
      %dma_wait3A_29 = tpu.memref_squeeze %dma_wait3A_28 : memref<1x8192xf32, #tpu.memory_space<hbm>> -> memref<8192xf32, #tpu.memory_space<hbm>>
      %dma_wait3A_30 = arith.constant 0 : i32
      %dma_wait3A_31 = tpu.memref_slice %arg5[%add3A, %dma_wait3A_30] : memref<32x8192xf32, #tpu.memory_space<hbm>> -> memref<1x8192xf32, #tpu.memory_space<hbm>>
      %dma_wait3A_32 = tpu.memref_squeeze %dma_wait3A_31 : memref<1x8192xf32, #tpu.memory_space<hbm>> -> memref<8192xf32, #tpu.memory_space<hbm>>
      tpu.wait_dma2 semaphore(%run_scoped3A : memref<!tpu.dma_semaphore, #tpu.memory_space<semaphore_mem>>) src(%arg8 : memref<8192xf32, #tpu.memory_space<vmem>>) dst(%dma_wait3A_32 : memref<8192xf32, #tpu.memory_space<hbm>>)
      tpu.yield
    }) : () -> ()
    return
  }
}

module attributes {stable_mosaic.version = 14 : i64} {
  func.func @_argmin_body(%arg0: i32, %arg1: memref<8192x32xf32, #tpu.memory_space<vmem>>, %arg2: memref<1x8192xf32, #tpu.memory_space<vmem>>, %arg3: memref<512x32xf32, #tpu.memory_space<vmem>>, %arg4: memref<1x8192xi32, #tpu.memory_space<vmem>>, %arg5: memref<1x8192xf32, #tpu.memory_space<vmem>>, %arg6: memref<1x8192xi32, #tpu.memory_space<vmem>>, %arg7: memref<1x8192xf32, #tpu.memory_space<vmem>>, %arg8: memref<1x8192xi32, #tpu.memory_space<vmem>>) attributes {dimension_semantics = [#tpu.dimension_semantics<arbitrary>], iteration_bounds = array<i64: 16>, scalar_prefetch = 0 : i64, scratch_operands = 4 : i64, tpu.core_type = #tpu.core_type<tc>, window_params = [{pipeline_mode = #tpu.pipeline_mode<synchronous>, transform_indices = @transform_0, window_bounds = array<i64: 8192, 32>}, {pipeline_mode = #tpu.pipeline_mode<synchronous>, transform_indices = @transform_1, window_bounds = array<i64: 1, 8192>}, {transform_indices = @transform_2, window_bounds = array<i64: 512, 32>}, {pipeline_mode = #tpu.pipeline_mode<synchronous>, transform_indices = @transform_3, window_bounds = array<i64: 1, 8192>}]} {
    %eq3A = arith.constant 0 : i32
    %eq3A_0 = arith.cmpi eq, %arg0, %eq3A : i32
    %convert_element_type3A = arith.extui %eq3A_0 : i1 to i32
    %cond3A = arith.constant 0 : i32
    %cond3A_1 = arith.cmpi ne, %convert_element_type3A, %cond3A : i32
    scf.if %cond3A_1 {
      %broadcast_in_dim3A_96 = arith.constant 0x7F800000 : f32
      %broadcast_in_dim3A_97 = vector.broadcast %broadcast_in_dim3A_96 : f32 to vector<1x8192xf32>
      %swap3A = arith.constant 0 : index
      %swap3A_98 = arith.constant 0 : index
      %swap3A_99 = vector.load %arg5[%swap3A, %swap3A_98] : memref<1x8192xf32, #tpu.memory_space<vmem>>, vector<1x8192xf32>
      tpu.vector_store %arg5[%swap3A, %swap3A_98], %broadcast_in_dim3A_97 {strides = array<i32>} : memref<1x8192xf32, #tpu.memory_space<vmem>>, vector<1x8192xf32>,
      %broadcast_in_dim3A_100 = arith.constant 0 : i32
      %broadcast_in_dim3A_101 = vector.broadcast %broadcast_in_dim3A_100 : i32 to vector<1x8192xi32>
      %swap3A_102 = arith.constant 0 : index
      %swap3A_103 = arith.constant 0 : index
      %swap3A_104 = vector.load %arg6[%swap3A_102, %swap3A_103] : memref<1x8192xi32, #tpu.memory_space<vmem>>, vector<1x8192xi32>
      tpu.vector_store %arg6[%swap3A_102, %swap3A_103], %broadcast_in_dim3A_101 {strides = array<i32>} : memref<1x8192xi32, #tpu.memory_space<vmem>>, vector<1x8192xi32>,
    } else {
    }
    %get3A = arith.constant 0 : index
    %get3A_2 = arith.constant 0 : index
    %get3A_3 = vector.load %arg3[%get3A, %get3A_2] : memref<512x32xf32, #tpu.memory_space<vmem>>, vector<512x32xf32>
    %mul3A = arith.mulf %get3A_3, %get3A_3 : vector<512x32xf32>
    %reduce_sum3A = arith.constant dense<0.000000e+00> : vector<512xf32>
    %reduce_sum3A_4 = vector.multi_reduction <add>, %mul3A, %reduce_sum3A [1] : vector<512x32xf32> to vector<512xf32>
    %broadcast_in_dim3A = vector.shape_cast %reduce_sum3A_4 : vector<512xf32> to vector<512x1xf32>
    %get3A_5 = arith.constant 0 : index
    %get3A_6 = arith.constant 0 : index
    %get3A_7 = vector.load %arg1[%get3A_5, %get3A_6] : memref<8192x32xf32, #tpu.memory_space<vmem>>, vector<8192x32xf32>
    %mul3A_8 = arith.constant -2.000000e+00 : f32
    %mul3A_9 = vector.broadcast %mul3A_8 : f32 to vector<8192x32xf32>
    %mul3A_10 = arith.mulf %get3A_7, %mul3A_9 : vector<8192x32xf32>
    %convert_element_type3A_11 = arith.truncf %mul3A_10 : vector<8192x32xf32> to vector<8192x32xbf16>
    %convert_element_type3A_12 = arith.truncf %get3A_3 : vector<512x32xf32> to vector<512x32xbf16>
    %dot_general3A = arith.constant dense<0.000000e+00> : vector<512x8192xf32>
    %dot_general3A_13 = tpu.matmul %convert_element_type3A_12, %convert_element_type3A_11, %dot_general3A {dimension_numbers = #tpu.dot_dimension_numbers<[1], [1], [0], [0], [0, 0, 1, 0], [], []>, transpose_lhs_hint = false} : vector<512x32xbf16>, vector<8192x32xbf16>, vector<512x8192xf32> -> vector<512x8192xf32>
    %get3A_14 = arith.constant 0 : index
    %get3A_15 = arith.constant 0 : index
    %get3A_16 = vector.load %arg2[%get3A_14, %get3A_15] : memref<1x8192xf32, #tpu.memory_space<vmem>>, vector<1x8192xf32>
    %add3A = vector.broadcast %get3A_16 : vector<1x8192xf32> to vector<512x8192xf32>
    %add3A_17 = vector.broadcast %broadcast_in_dim3A : vector<512x1xf32> to vector<512x8192xf32>
    %add3A_18 = arith.addf %add3A, %add3A_17 : vector<512x8192xf32>
    %add3A_19 = arith.addf %add3A_18, %dot_general3A_13 : vector<512x8192xf32>
    %reduce_min3A = arith.constant dense<0x7F800000> : vector<8192xf32>
    %reduce_min3A_20 = vector.multi_reduction <minimumf>, %add3A_19, %reduce_min3A [0] : vector<512x8192xf32> to vector<8192xf32>
    %broadcast_in_dim3A_21 = vector.shape_cast %reduce_min3A_20 : vector<8192xf32> to vector<1x8192xf32>
    %mul3A_22 = arith.constant 512 : i32
    %mul3A_23 = arith.muli %arg0, %mul3A_22 : i32
    %iota3A = tpu.iota {dimensions = array<i32: 0>} : vector<512x8192xi32>
    %add3A_24 = vector.broadcast %mul3A_23 : i32 to vector<512x8192xi32>
    %add3A_25 = arith.addi %add3A_24, %iota3A : vector<512x8192xi32>
    %eq3A_26 = vector.broadcast %broadcast_in_dim3A_21 : vector<1x8192xf32> to vector<512x8192xf32>
    %eq3A_27 = arith.cmpf oeq, %add3A_19, %eq3A_26 : vector<512x8192xf32>
    %jit3A = arith.constant 1073741824 : i32
    %broadcast_in_dim3A_28 = vector.broadcast %jit3A : i32 to vector<512x8192xi32>
    %select_n3A = arith.select %eq3A_27, %add3A_25, %broadcast_in_dim3A_28 : vector<512x8192xi1>, vector<512x8192xi32>
    %reduce_min3A_29 = arith.constant dense<2147483647> : vector<8192xi32>
    %reduce_min3A_30 = vector.multi_reduction <minsi>, %select_n3A, %reduce_min3A_29 [0] : vector<512x8192xi32> to vector<8192xi32>
    %broadcast_in_dim3A_31 = vector.shape_cast %reduce_min3A_30 : vector<8192xi32> to vector<1x8192xi32>
    %jit3A_32 = arith.constant 4 : i32
    %eq3A_33 = arith.constant 0 : i32
    %eq3A_34 = arith.cmpi eq, %jit3A_32, %eq3A_33 : i32
    %jit3A_35 = arith.constant 1 : i32
    %select_n3A_36 = arith.select %eq3A_34, %jit3A_35, %jit3A_32 : i32
    %rem3A = arith.remsi %arg0, %select_n3A_36 : i32
    %ne3A = arith.constant 0 : i32
    %ne3A_37 = arith.cmpi ne, %rem3A, %ne3A : i32
    %lt3A = arith.constant 0 : i32
    %lt3A_38 = arith.cmpi slt, %rem3A, %lt3A : i32
    %lt3A_39 = arith.constant 0 : i32
    %lt3A_40 = arith.cmpi slt, %select_n3A_36, %lt3A_39 : i32
    %ne3A_41 = arith.xori %lt3A_38, %lt3A_40 : i1
    %and3A = arith.andi %ne3A_41, %ne3A_37 : i1
    %add3A_42 = arith.addi %rem3A, %select_n3A_36 : i32
    %select_n3A_43 = arith.select %and3A, %add3A_42, %rem3A : i32
    %eq3A_44 = arith.constant 0 : i32
    %eq3A_45 = arith.cmpi eq, %select_n3A_43, %eq3A_44 : i32
    %convert_element_type3A_46 = arith.extui %eq3A_45 : i1 to i32
    %cond3A_47 = arith.constant 0 : i32
    %cond3A_48 = arith.cmpi ne, %convert_element_type3A_46, %cond3A_47 : i32
    scf.if %cond3A_48 {
      %swap3A = arith.constant 0 : index
      %swap3A_96 = arith.constant 0 : index
      %swap3A_97 = vector.load %arg7[%swap3A, %swap3A_96] : memref<1x8192xf32, #tpu.memory_space<vmem>>, vector<1x8192xf32>
      tpu.vector_store %arg7[%swap3A, %swap3A_96], %broadcast_in_dim3A_21 {strides = array<i32>} : memref<1x8192xf32, #tpu.memory_space<vmem>>, vector<1x8192xf32>,
      %swap3A_98 = arith.constant 0 : index
      %swap3A_99 = arith.constant 0 : index
      %swap3A_100 = vector.load %arg8[%swap3A_98, %swap3A_99] : memref<1x8192xi32, #tpu.memory_space<vmem>>, vector<1x8192xi32>
      tpu.vector_store %arg8[%swap3A_98, %swap3A_99], %broadcast_in_dim3A_31 {strides = array<i32>} : memref<1x8192xi32, #tpu.memory_space<vmem>>, vector<1x8192xi32>,
    } else {
    }
    %jit3A_49 = arith.constant 4 : i32
    %eq3A_50 = arith.constant 0 : i32
    %eq3A_51 = arith.cmpi eq, %jit3A_49, %eq3A_50 : i32
    %jit3A_52 = arith.constant 1 : i32
    %select_n3A_53 = arith.select %eq3A_51, %jit3A_52, %jit3A_49 : i32
    %rem3A_54 = arith.remsi %arg0, %select_n3A_53 : i32
    %ne3A_55 = arith.constant 0 : i32
    %ne3A_56 = arith.cmpi ne, %rem3A_54, %ne3A_55 : i32
    %lt3A_57 = arith.constant 0 : i32
    %lt3A_58 = arith.cmpi slt, %rem3A_54, %lt3A_57 : i32
    %lt3A_59 = arith.constant 0 : i32
    %lt3A_60 = arith.cmpi slt, %select_n3A_53, %lt3A_59 : i32
    %ne3A_61 = arith.xori %lt3A_58, %lt3A_60 : i1
    %and3A_62 = arith.andi %ne3A_61, %ne3A_56 : i1
    %add3A_63 = arith.addi %rem3A_54, %select_n3A_53 : i32
    %select_n3A_64 = arith.select %and3A_62, %add3A_63, %rem3A_54 : i32
    %ne3A_65 = arith.constant 0 : i32
    %ne3A_66 = arith.cmpi ne, %select_n3A_64, %ne3A_65 : i32
    %convert_element_type3A_67 = arith.extui %ne3A_66 : i1 to i32
    %cond3A_68 = arith.constant 0 : i32
    %cond3A_69 = arith.cmpi ne, %convert_element_type3A_67, %cond3A_68 : i32
    scf.if %cond3A_69 {
      %get3A_96 = arith.constant 0 : index
      %get3A_97 = arith.constant 0 : index
      %get3A_98 = vector.load %arg7[%get3A_96, %get3A_97] : memref<1x8192xf32, #tpu.memory_space<vmem>>, vector<1x8192xf32>
      %lt3A_99 = arith.cmpf olt, %broadcast_in_dim3A_21, %get3A_98 : vector<1x8192xf32>
      %get3A_100 = arith.constant 0 : index
      %get3A_101 = arith.constant 0 : index
      %get3A_102 = vector.load %arg8[%get3A_100, %get3A_101] : memref<1x8192xi32, #tpu.memory_space<vmem>>, vector<1x8192xi32>
      %select_n3A_103 = arith.select %lt3A_99, %broadcast_in_dim3A_31, %get3A_102 : vector<1x8192xi1>, vector<1x8192xi32>
      %swap3A = arith.constant 0 : index
      %swap3A_104 = arith.constant 0 : index
      %swap3A_105 = vector.load %arg8[%swap3A, %swap3A_104] : memref<1x8192xi32, #tpu.memory_space<vmem>>, vector<1x8192xi32>
      tpu.vector_store %arg8[%swap3A, %swap3A_104], %select_n3A_103 {strides = array<i32>} : memref<1x8192xi32, #tpu.memory_space<vmem>>, vector<1x8192xi32>,
      %get3A_106 = arith.constant 0 : index
      %get3A_107 = arith.constant 0 : index
      %get3A_108 = vector.load %arg7[%get3A_106, %get3A_107] : memref<1x8192xf32, #tpu.memory_space<vmem>>, vector<1x8192xf32>
      %select_n3A_109 = arith.select %lt3A_99, %broadcast_in_dim3A_21, %get3A_108 : vector<1x8192xi1>, vector<1x8192xf32>
      %swap3A_110 = arith.constant 0 : index
      %swap3A_111 = arith.constant 0 : index
      %swap3A_112 = vector.load %arg7[%swap3A_110, %swap3A_111] : memref<1x8192xf32, #tpu.memory_space<vmem>>, vector<1x8192xf32>
      tpu.vector_store %arg7[%swap3A_110, %swap3A_111], %select_n3A_109 {strides = array<i32>} : memref<1x8192xf32, #tpu.memory_space<vmem>>, vector<1x8192xf32>,
    } else {
    }
    %jit3A_70 = arith.constant 4 : i32
    %eq3A_71 = arith.constant 0 : i32
    %eq3A_72 = arith.cmpi eq, %jit3A_70, %eq3A_71 : i32
    %jit3A_73 = arith.constant 1 : i32
    %select_n3A_74 = arith.select %eq3A_72, %jit3A_73, %jit3A_70 : i32
    %rem3A_75 = arith.remsi %arg0, %select_n3A_74 : i32
    %ne3A_76 = arith.constant 0 : i32
    %ne3A_77 = arith.cmpi ne, %rem3A_75, %ne3A_76 : i32
    %lt3A_78 = arith.constant 0 : i32
    %lt3A_79 = arith.cmpi slt, %rem3A_75, %lt3A_78 : i32
    %lt3A_80 = arith.constant 0 : i32
    %lt3A_81 = arith.cmpi slt, %select_n3A_74, %lt3A_80 : i32
    %ne3A_82 = arith.xori %lt3A_79, %lt3A_81 : i1
    %and3A_83 = arith.andi %ne3A_82, %ne3A_77 : i1
    %add3A_84 = arith.addi %rem3A_75, %select_n3A_74 : i32
    %select_n3A_85 = arith.select %and3A_83, %add3A_84, %rem3A_75 : i32
    %eq3A_86 = arith.constant 3 : i32
    %eq3A_87 = arith.cmpi eq, %select_n3A_85, %eq3A_86 : i32
    %convert_element_type3A_88 = arith.extui %eq3A_87 : i1 to i32
    %cond3A_89 = arith.constant 0 : i32
    %cond3A_90 = arith.cmpi ne, %convert_element_type3A_88, %cond3A_89 : i32
    scf.if %cond3A_90 {
      %get3A_96 = arith.constant 0 : index
      %get3A_97 = arith.constant 0 : index
      %get3A_98 = vector.load %arg7[%get3A_96, %get3A_97] : memref<1x8192xf32, #tpu.memory_space<vmem>>, vector<1x8192xf32>
      %get3A_99 = arith.constant 0 : index
      %get3A_100 = arith.constant 0 : index
      %get3A_101 = vector.load %arg5[%get3A_99, %get3A_100] : memref<1x8192xf32, #tpu.memory_space<vmem>>, vector<1x8192xf32>
      %lt3A_102 = arith.cmpf olt, %get3A_98, %get3A_101 : vector<1x8192xf32>
      %get3A_103 = arith.constant 0 : index
      %get3A_104 = arith.constant 0 : index
      %get3A_105 = vector.load %arg8[%get3A_103, %get3A_104] : memref<1x8192xi32, #tpu.memory_space<vmem>>, vector<1x8192xi32>
      %get3A_106 = arith.constant 0 : index
      %get3A_107 = arith.constant 0 : index
      %get3A_108 = vector.load %arg6[%get3A_106, %get3A_107] : memref<1x8192xi32, #tpu.memory_space<vmem>>, vector<1x8192xi32>
      %select_n3A_109 = arith.select %lt3A_102, %get3A_105, %get3A_108 : vector<1x8192xi1>, vector<1x8192xi32>
      %swap3A = arith.constant 0 : index
      %swap3A_110 = arith.constant 0 : index
      %swap3A_111 = vector.load %arg6[%swap3A, %swap3A_110] : memref<1x8192xi32, #tpu.memory_space<vmem>>, vector<1x8192xi32>
      tpu.vector_store %arg6[%swap3A, %swap3A_110], %select_n3A_109 {strides = array<i32>} : memref<1x8192xi32, #tpu.memory_space<vmem>>, vector<1x8192xi32>,
      %convert_element_type3A_112 = arith.truncf %get3A_98 : vector<1x8192xf32> to vector<1x8192xbf16>
      %convert_element_type3A_113 = arith.extf %convert_element_type3A_112 : vector<1x8192xbf16> to vector<1x8192xf32>
      %get3A_114 = arith.constant 0 : index
      %get3A_115 = arith.constant 0 : index
      %get3A_116 = vector.load %arg5[%get3A_114, %get3A_115] : memref<1x8192xf32, #tpu.memory_space<vmem>>, vector<1x8192xf32>
      %select_n3A_117 = arith.select %lt3A_102, %convert_element_type3A_113, %get3A_116 : vector<1x8192xi1>, vector<1x8192xf32>
      %swap3A_118 = arith.constant 0 : index
      %swap3A_119 = arith.constant 0 : index
      %swap3A_120 = vector.load %arg5[%swap3A_118, %swap3A_119] : memref<1x8192xf32, #tpu.memory_space<vmem>>, vector<1x8192xf32>
      tpu.vector_store %arg5[%swap3A_118, %swap3A_119], %select_n3A_117 {strides = array<i32>} : memref<1x8192xf32, #tpu.memory_space<vmem>>, vector<1x8192xf32>,
    } else {
    }
    %eq3A_91 = arith.constant 15 : i32
    %eq3A_92 = arith.cmpi eq, %arg0, %eq3A_91 : i32
    %convert_element_type3A_93 = arith.extui %eq3A_92 : i1 to i32
    %cond3A_94 = arith.constant 0 : i32
    %cond3A_95 = arith.cmpi ne, %convert_element_type3A_93, %cond3A_94 : i32
    scf.if %cond3A_95 {
      %get3A_96 = arith.constant 0 : index
      %get3A_97 = arith.constant 0 : index
      %get3A_98 = vector.load %arg6[%get3A_96, %get3A_97] : memref<1x8192xi32, #tpu.memory_space<vmem>>, vector<1x8192xi32>
      %swap3A = arith.constant 0 : index
      %swap3A_99 = arith.constant 0 : index
      %swap3A_100 = vector.load %arg4[%swap3A, %swap3A_99] : memref<1x8192xi32, #tpu.memory_space<vmem>>, vector<1x8192xi32>
      tpu.vector_store %arg4[%swap3A, %swap3A_99], %get3A_98 {strides = array<i32>} : memref<1x8192xi32, #tpu.memory_space<vmem>>, vector<1x8192xi32>,
    } else {
    }
    return
  }
  func.func @transform_0(%arg0: i32) -> (i32, i32) {
    %c0_i32 = arith.constant 0 : i32
    %c0_i32_0 = arith.constant 0 : i32
    %c0_i32_1 = arith.constant 0 : i32
    return %c0_i32, %c0_i32_0 : i32, i32
  }
  func.func @transform_1(%arg0: i32) -> (i32, i32) {
    %c0_i32 = arith.constant 0 : i32
    %c0_i32_0 = arith.constant 0 : i32
    %c0_i32_1 = arith.constant 0 : i32
    return %c0_i32, %c0_i32_0 : i32, i32
  }
  func.func @transform_2(%arg0: i32) -> (i32, i32) {
    %c0_i32 = arith.constant 0 : i32
    %c0_i32_0 = arith.constant 0 : i32
    return %arg0, %c0_i32 : i32, i32
  }
  func.func @transform_3(%arg0: i32) -> (i32, i32) {
    %c0_i32 = arith.constant 0 : i32
    %c0_i32_0 = arith.constant 0 : i32
    %c0_i32_1 = arith.constant 0 : i32
    return %c0_i32, %c0_i32_0 : i32, i32
  }
}

module attributes {stable_mosaic.version = 14 : i64} {
  func.func @_final_body(%arg0: memref<8192x32xf32, #tpu.memory_space<vmem>>, %arg1: memref<8192x32xf32, #tpu.memory_space<vmem>>, %arg2: memref<32x8192xf32, #tpu.memory_space<vmem>>, %arg3: memref<8192x32xf32, #tpu.memory_space<vmem>>, %arg4: memref<1x1xf32, #tpu.memory_space<smem>>, %arg5: memref<1x1xf32, #tpu.memory_space<smem>>, %arg6: memref<1x1xi32, #tpu.memory_space<smem>>) attributes {dimension_semantics = [], scalar_prefetch = 0 : i64, scratch_operands = 0 : i64, tpu.core_type = #tpu.core_type<tc>} {
    %get3A = arith.constant 0 : index
    %get3A_0 = arith.constant 0 : index
    %get3A_1 = vector.load %arg0[%get3A, %get3A_0] : memref<8192x32xf32, #tpu.memory_space<vmem>>, vector<8192x32xf32>
    %get3A_2 = arith.constant 0 : index
    %get3A_3 = arith.constant 0 : index
    %get3A_4 = vector.load %arg1[%get3A_2, %get3A_3] : memref<8192x32xf32, #tpu.memory_space<vmem>>, vector<8192x32xf32>
    %sub3A = arith.subf %get3A_4, %get3A_1 : vector<8192x32xf32>
    %add3A = arith.addf %get3A_1, %sub3A : vector<8192x32xf32>
    %swap3A = arith.constant 0 : index
    %swap3A_5 = arith.constant 0 : index
    %swap3A_6 = vector.load %arg3[%swap3A, %swap3A_5] : memref<8192x32xf32, #tpu.memory_space<vmem>>, vector<8192x32xf32>
    tpu.vector_store %arg3[%swap3A, %swap3A_5], %add3A {strides = array<i32>} : memref<8192x32xf32, #tpu.memory_space<vmem>>, vector<8192x32xf32>,
    %sub3A_7 = arith.subf %get3A_1, %get3A_4 : vector<8192x32xf32>
    %mul3A = arith.mulf %sub3A_7, %sub3A_7 : vector<8192x32xf32>
    %reduce_sum3A = vector.shape_cast %mul3A : vector<8192x32xf32> to vector<1x8192x32xf32>
    %reduce_sum3A_8 = arith.constant dense<0.000000e+00> : vector<1xf32>
    %reduce_sum3A_9 = vector.multi_reduction <add>, %reduce_sum3A, %reduce_sum3A_8 [1, 2] : vector<1x8192x32xf32> to vector<1xf32>
    %reduce_sum3A_10 = vector.shape_cast %reduce_sum3A_9 : vector<1xf32> to vector<1x1x1xf32>
    %reduce_sum3A_11 = vector.extract %reduce_sum3A_10[0, 0, 0] : f32 from vector<1x1x1xf32>
    %div3A = arith.constant 2.621440e+05 : f32
    %div3A_12 = arith.divf %reduce_sum3A_11, %div3A : f32
    %mul3A_13 = arith.constant 2.500000e-01 : f32
    %mul3A_14 = arith.mulf %mul3A_13, %div3A_12 : f32
    %swap3A_15 = arith.constant 0 : index
    %swap3A_16 = arith.constant 0 : index
    %swap3A_17 = memref.load %arg4[%swap3A_15, %swap3A_16] : memref<1x1xf32, #tpu.memory_space<smem>>
    memref.store %mul3A_14, %arg4[%swap3A_15, %swap3A_16] : memref<1x1xf32, #tpu.memory_space<smem>>
    %get3A_18 = arith.constant 0 : index
    %get3A_19 = arith.constant 0 : index
    %get3A_20 = vector.load %arg2[%get3A_18, %get3A_19] : memref<32x8192xf32, #tpu.memory_space<vmem>>, vector<32x8192xf32>
    %reduce_sum3A_21 = arith.constant dense<0.000000e+00> : vector<8192xf32>
    %reduce_sum3A_22 = vector.multi_reduction <add>, %get3A_20, %reduce_sum3A_21 [0] : vector<32x8192xf32> to vector<8192xf32>
    %div3A_23 = arith.constant 8.192000e+03 : f32
    %div3A_24 = vector.broadcast %div3A_23 : f32 to vector<8192xf32>
    %div3A_25 = arith.divf %reduce_sum3A_22, %div3A_24 : vector<8192xf32>
    %add3A_26 = arith.constant 1.000000e-10 : f32
    %add3A_27 = vector.broadcast %add3A_26 : f32 to vector<8192xf32>
    %add3A_28 = arith.addf %div3A_25, %add3A_27 : vector<8192xf32>
    %log3A = math.log %add3A_28 : vector<8192xf32>
    %mul3A_29 = arith.mulf %add3A_28, %log3A : vector<8192xf32>
    %reduce_sum3A_30 = vector.shape_cast %mul3A_29 : vector<8192xf32> to vector<1x8192xf32>
    %reduce_sum3A_31 = arith.constant dense<0.000000e+00> : vector<1xf32>
    %reduce_sum3A_32 = vector.multi_reduction <add>, %reduce_sum3A_30, %reduce_sum3A_31 [1] : vector<1x8192xf32> to vector<1xf32>
    %reduce_sum3A_33 = vector.shape_cast %reduce_sum3A_32 : vector<1xf32> to vector<1x1xf32>
    %reduce_sum3A_34 = vector.extract %reduce_sum3A_33[0, 0] : f32 from vector<1x1xf32>
    %neg3A = arith.constant 0.000000e+00 : f32
    %neg3A_35 = arith.subf %neg3A, %reduce_sum3A_34 : f32
    %swap3A_36 = arith.constant 0 : index
    %swap3A_37 = arith.constant 0 : index
    %swap3A_38 = memref.load %arg5[%swap3A_36, %swap3A_37] : memref<1x1xf32, #tpu.memory_space<smem>>
    memref.store %neg3A_35, %arg5[%swap3A_36, %swap3A_37] : memref<1x1xf32, #tpu.memory_space<smem>>
    %gt3A = arith.constant 0.000000e+00 : f32
    %gt3A_39 = vector.broadcast %gt3A : f32 to vector<8192xf32>
    %gt3A_40 = arith.cmpf ogt, %reduce_sum3A_22, %gt3A_39 : vector<8192xf32>
    %convert_element_type3A = arith.extui %gt3A_40 : vector<8192xi1> to vector<8192xi32>
    %reduce_sum3A_41 = vector.shape_cast %convert_element_type3A : vector<8192xi32> to vector<1x8192xi32>
    %reduce_sum3A_42 = arith.constant dense<0> : vector<1xi32>
    %reduce_sum3A_43 = vector.multi_reduction <add>, %reduce_sum3A_41, %reduce_sum3A_42 [1] : vector<1x8192xi32> to vector<1xi32>
    %reduce_sum3A_44 = vector.shape_cast %reduce_sum3A_43 : vector<1xi32> to vector<1x1xi32>
    %reduce_sum3A_45 = vector.extract %reduce_sum3A_44[0, 0] : i32 from vector<1x1xi32>
    %swap3A_46 = arith.constant 0 : index
    %swap3A_47 = arith.constant 0 : index
    %swap3A_48 = memref.load %arg6[%swap3A_46, %swap3A_47] : memref<1x1xi32, #tpu.memory_space<smem>>
    memref.store %reduce_sum3A_45, %arg6[%swap3A_46, %swap3A_47] : memref<1x1xi32, #tpu.memory_space<smem>>
    return
  }
}

</mosaic_0001>

<sc_bundles>
// kernel: kernel.5.cloned.1.call-start
scs
__scs_entry_jumppad:
0x0: {  	(pc) =	sbr.rel $0x88, $3  }
0x1: {  	(tag) =	ssettag $0x0;
	lr =	simm.s32 $0x1  }
0x2: {  	[smem:$0x3F9F] =	sst lr;
	_ =	strace $0xD0000000  }
0x3: {  	_ = 	snop  }
0x4: {  	_ = 	snop  }
0x5: {  	_ = 	snop  }
0x6: {  	_ = 	snop  }
0x7: {  	_ = 	snop  }
__scs_overlays_trampoline_lowered:
0x8: {  	[smem:$0x3FAE] =	sst s0  }
0x9: {  	[smem:$0x3FAF] =	sst s1  }
0xa: {  	[smem:$0x3FB0] =	sst s2  }
0xb: {  	[smem:$0x3FB1] =	sst s3  }
0xc: {  	[smem:$0x3FB2] =	sst s4  }
0xd: {  	[smem:$0x3FB3] =	sst s5  }
0xe: {  	[smem:$0x3FB4] =	sst s6  }
0xf: {  	[smem:$0x3FB5] =	sst s7  }
0x10: {  	[smem:$0x3FB6] =	sst s8  }
0x11: {  	[smem:$0x3FB7] =	sst s9;
	s0 =	simm.s32 @!p0 $0x0  }
0x12: {  	s1 =	sld [smem:$0x3F9D];
	s0 =	simm.s32 @p0 $0x1  }
0x13: {  	[smem:$0x3FB8] =	sst s0;
	s0 =	simm.s32 @!p1 $0x0  }
0x14: {  	s2 =	sld [smem:$0x3F9C];
	s0 =	simm.s32 @p1 $0x1  }
0x15: {  	[smem:$0x3FB9] =	sst s0;
	s0 =	simm.s32 @!p2 $0x0  }
0x16: {  	s3 =	sld [smem:$0x3FDB];
	s0 =	simm.s32 @p2 $0x1  }
0x17: {  	s4 =	simm.s32 $0x1BF5;
	[smem:$0x3FBB] =	sst s0  }
0x18: {  	s0 =	sld [smem:$0x3F9E];
	_ =	swait.ge [sflag:s4], $0x0  }
0x19: {  	s7 =	sld [smem:$0x3F9F]  }
0x1a: {  	s8 =	sadd.s32 $0xFFFFE003, lr  }
0x1b: {  	s9 =	sadd.s32 $0xFFFFFEF7, lr;
	s5 =	simm.s32 $0xFFFFFFFF;
	p2 =	slt.u32 s8, $0xFFFFF086  }
0x1c: {  	p1 =	slt.u32 s9, $0xF7A;
	s5 =	simm.s32 @!p2 $0x0  }
0x1d: {  	s5 =	simm.s32 @p1 $0x1;
	p0 =	seq.s32 s7, s2  }
0x1e: {  	s7 =	smul.u32 @!p0 $0xF7A, s2;
	p2 =	seq.s32 @!p0 s5, $0x0  }
0x1f: {  	s9 =	smul.u32 $0xF7A, s1;
	s8 =	simm.s32 @!p0 $0x1BF5;
	p2 =	por !p2, p0  }
0x20: {  	[sflag:s8] =	ssyncset.s32 @!p0 $0xFFFFF086;
	s6 =	sadd.s32 @!p0 s3, s7;
	s7 =	simm.s32 @!p0 $0x108  }
0x21: {  	s3 =	sadd.s32 s3, s9;
	s6 =	sadd.s32 @!p0 $0x88, s6;
	s7 =	simm.s32 @p2 $0x1082  }
0x22: {  	[simem:s7], [sflag:s8] =	dma.local @!p0 [hbm:s6], $0xF7A  }
0x23: {  	s9 =	sor.u32 $0xD0000000, s2;
	s6 =	simm.s32 $0x108;
	_ =	swait.ge @!p0 [sflag:s8], $0x0  }
0x24: {  	s3 =	sadd.s32 $0x88, s3;
	s6 =	simm.s32 @!p1 $0x1082;
	[sflag:s4] =	ssyncset.s32 $0xFFFFF086  }
0x25: {  	[simem:s6], [sflag:s4] =	dma.local [hbm:s3], $0xF7A  }
0x26: {  	[smem:$0x3F9F] =	sst s1;
	(tag) =	ssettag s2;
	_ =	strace s9  }
0x27: {  	s1 =	sld [smem:$0x3FAF]  }
0x28: {  	s2 =	sld [smem:$0x3FB0]  }
0x29: {  	s4 =	sld [smem:$0x3FB2]  }
0x2a: {  	p0 =	seq.s32 s5, $0x0;
	s5 =	sld [smem:$0x3FB3]  }
0x2b: {  	s6 =	sld [smem:$0x3FB4]  }
0x2c: {  	s7 =	sld [smem:$0x3FB5]  }
0x2d: {  	s3 =	simm.s32 $0x108;
	s8 =	sld [smem:$0x3FB6]  }
0x2e: {  	s3 =	simm.s32 @!p0 $0x1082;
	s9 =	sld [smem:$0x3FB7]  }
0x2f: {  	lr =	sadd.s32 s0, s3;
	s0 =	sld [smem:$0x3FAE]  }
0x30: {  	s3 =	sld [smem:$0x3FB1]  }
0x31: {  	[smem:$0x3FBA] =	sst s10  }
0x32: {  	s10 =	sld [smem:$0x3FB8];
	_ =	sdelay $0x3  }
0x33: {  	p0 =	seq.s32 s10, $0x1;
	s10 =	sld [smem:$0x3FBA];
	_ =	sdelay $0x3  }
0x34: {  	[smem:$0x3FBA] =	sst s10  }
0x35: {  	s10 =	sld [smem:$0x3FB9];
	_ =	sdelay $0x3  }
0x36: {  	p1 =	seq.s32 s10, $0x1;
	s10 =	sld [smem:$0x3FBA];
	_ =	sdelay $0x3  }
0x37: {  	[smem:$0x3FBA] =	sst s10  }
0x38: {  	s10 =	sld [smem:$0x3FBB]  }
0x39: {  	_ = 	snop;
	(pc) =	sbr.ind lr, $3  }
0x3a: {  	_ = 	snop  }
0x3b: {  	_ = 	snop  }
0x3c: {  	p2 =	seq.s32 s10, $0x1;
	s10 =	sld [smem:$0x3FBA]  }
0x3d: {  	_ =	shalt  }
0x3e: {  	_ =	shalt  }
0x3f: {  	_ =	shalt  }
0x40: {  	_ =	shalt  }
0x41: {  	_ =	shalt  }
0x42: {  	_ =	shalt  }
0x43: {  	_ =	shalt  }
0x44: {  	_ =	shalt  }
0x45: {  	_ =	shalt  }
0x46: {  	_ =	shalt  }
0x47: {  	_ =	shalt  }
0x48: {  	_ =	shalt  }
0x49: {  	_ =	shalt  }
0x4a: {  	_ =	shalt  }
0x4b: {  	_ =	shalt  }
0x4c: {  	_ =	shalt  }
0x4d: {  	_ =	shalt  }
0x4e: {  	_ =	shalt  }
0x4f: {  	_ =	shalt  }
0x50: {  	_ =	shalt  }
0x51: {  	_ =	shalt  }
0x52: {  	_ =	shalt  }
0x53: {  	_ =	shalt  }
0x54: {  	_ =	shalt  }
0x55: {  	_ =	shalt  }
0x56: {  	_ =	shalt  }
0x57: {  	_ =	shalt  }
0x58: {  	_ =	shalt  }
0x59: {  	_ =	shalt  }
0x5a: {  	_ =	shalt  }
0x5b: {  	_ =	shalt  }
0x5c: {  	_ =	shalt  }
0x5d: {  	_ =	shalt  }
0x5e: {  	_ =	shalt  }
0x5f: {  	_ =	shalt  }
0x60: {  	_ =	shalt  }
0x61: {  	_ =	shalt  }
0x62: {  	_ =	shalt  }
0x63: {  	_ =	shalt  }
0x64: {  	_ =	shalt  }
0x65: {  	_ =	shalt  }
0x66: {  	_ =	shalt  }
0x67: {  	_ =	shalt  }
0x68: {  	_ =	shalt  }
0x69: {  	_ =	shalt  }
0x6a: {  	_ =	shalt  }
0x6b: {  	_ =	shalt  }
0x6c: {  	_ =	shalt  }
0x6d: {  	_ =	shalt  }
0x6e: {  	_ =	shalt  }
0x6f: {  	_ =	shalt  }
0x70: {  	_ =	shalt  }
0x71: {  	_ =	shalt  }
0x72: {  	_ =	shalt  }
0x73: {  	_ =	shalt  }
0x74: {  	_ =	shalt  }
0x75: {  	_ =	shalt  }
0x76: {  	_ =	shalt  }
0x77: {  	_ =	shalt  }
0x78: {  	_ =	shalt  }
0x79: {  	_ =	shalt  }
0x7a: {  	_ =	shalt  }
0x7b: {  	_ =	shalt  }
0x7c: {  	_ =	shalt  }
0x7d: {  	_ =	shalt  }
0x7e: {  	_ =	shalt  }
0x7f: {  	_ =	shalt  }
0x80: {  	_ =	shalt  }
0x81: {  	_ =	shalt  }
0x82: {  	_ =	shalt  }
0x83: {  	_ =	shalt  }
0x84: {  	_ =	shalt  }
0x85: {  	_ =	shalt  }
0x86: {  	_ =	shalt  }
0x87: {  	_ =	shalt  }
.Lfunc_end0:
.L_simem_size_0:
called_computation_lowered:
.L_overlay_start_0:
0x88: {  	s2 =	sld [smem:$0x3FD9]  }
0x89: {  	s3 =	sld [smem:$0x3FFE];
	_ =	sdelay $0x1  }
0x8a: {  	s1 =	srdreg.scid  }
0x8b: {  	s0 =	sand.u32 $0x1, s1  }
0x8c: {  	s14 =	sshll.u32 s0, $0xA;
	s2 =	sadd.s32 s3, s2  }
0x8d: {  	s2 =	sadd.s32 s2, s14  }
0x8e: {  	[smem:$0x3FC6] =	sst s2  }
0x8f: {  	_ = 	snop  }
0x90: {  	s2 =	sld [smem:$0x3FD0];
	_ =	sdelay $0x2  }
0x91: {  	s15 =	simm.s32 $0xA;
	s4 =	simm.s32 $0x10  }
0x92: {  	[smem:s4], [sflag:s15] =	dma.local [hbm:s2], $0x1  }
0x93: {  	_ =	swait.eq [sflag:s15], $0x1  }
0x94: {  	[sflag:s15] =	ssyncset.done $0x0  }
0x95: {  	s16 =	sld [smem:$0x10];
	[sflag:s15] =	ssyncadd.s32 $0xFFFFFFFF  }
0x96: {  	s17 =	sld [smem:$0x11];
	(tm) =	ssettm $0x1  }
0x97: {  	s18 =	sld [smem:$0x3FFB];
	_ =	sdelay $0x3  }
0x98: {  	_ =	strace s18  }
0x99: {  	s4 =	sld [smem:$0x3FFC];
	_ =	sdelay $0x3  }
0x9a: {  	_ =	strace s4  }
0x9b: {  	s4 =	sld [smem:$0x3FFD];
	_ =	sdelay $0x3  }
0x9c: {  	_ =	strace s4  }
0x9d: {  	_ =	strace $0x8FFFFFFF  }
0x9e: {  	s19 =	sld [smem:$0x3FDB];
	_ =	sdelay $0x1  }
0x9f: {  	s5 =	simm.s32 $_scs_section_size  }
0xa0: {  	s6 =	simm.s32 $_size__tile_overlayer_lowered;
	s7 =	simm.s32 $_tile_overlayer_lowered  }
0xa1: {  	s22 =	simm.s32 $0x1BFF;
	s21 =	sshll.u32 s7, $0x1;
	s4 =	sadd.s32 s5, s19  }
0xa2: {  	s8 =	simm.s32 $0x0;
	s20 =	sshll.u32 s6, $0x1;
	s6 =	sadd.s32 s21, s4  }
0xa3: {  	[timem:s8], [sflag:s22] =	dma.local [hbm:s6], s20  }
0xa4: {  	_ =	swait.ge [sflag:s22], s20  }
0xa5: {  	s5 =	ssub.s32 $0x0, s20;
	[sflag:s22] =	ssyncset.done $0x0  }
0xa6: {  	[sflag:s22] =	ssyncadd.s32 s5;
	_ =	sdelay $0x1  }
0xa7: {  	s23 =	simm.s32 $0x1B8B  }
0xa8: {  	_ =	swait.ge [sflag:s23], $0x1  }
0xa9: {  	[sflag:s23] =	ssyncset.done $0x0  }
0xaa: {  	s25 =	simm.s32 $0x1B8E;
	s24 =	sld [smem:$0x3FFE];
	[sflag:s23] =	ssyncadd.s32 $0xFFFFFFFF  }
0xab: {  	s26 =	simm.s32 $execute0_lowered;
	[smem:$0x3FD2] =	sst s25  }
0xac: {  	s6 =	sshll.u32 s26, $0x1;
	_ =	strace $0x80000046;
	[dreg:$0x1] =	wrdreg $0xFFFFFFFF  }
0xad: {  	s28 =	simm.s32 $_size_execute0_lowered;
	s4 =	sadd.s32 s4, s6;
	[dreg:$0x0] =	wrdreg $0x0  }
0xae: {  	s6 =	sshll.u32 s28, $0x1;
	[dreg:$0x2] =	wrdreg s4  }
0xaf: {  	[dreg:$0x3] =	wrdreg s6  }
0xb0: {  	[dreg:$0x4] =	wrdreg $0xC0  }
0xb1: {  	_ =	task [dreg:s8], $0x5FFFF  }
0xb2: {  	[dreg:$0x1] =	wrdreg $0xFFFFFFFF  }
0xb3: {  	[dreg:$0x0] =	wrdreg $0x60  }
0xb4: {  	[dreg:$0x2] =	wrdreg s17  }
0xb5: {  	[dreg:$0x3] =	wrdreg s16  }
0xb6: {  	[dreg:$0x4] =	wrdreg s24  }
0xb7: {  	[dreg:$0x5] =	wrdreg $0x9  }
0xb8: {  	_ =	task.clear_ibuf [dreg:s8], $0x6FFFF;
	_ =	strace $0x90000046  }
0xb9: {  	s29 =	simm.s32 $0x9;
	_ =	strace $0x80000048  }
0xba: {  	_ =	swait.ge [sflag:s29], $0x1  }
0xbb: {  	[sflag:s29] =	ssyncadd.s32 $0xFFFFFFFF  }
0xbc: {  	_ =	strace $0x90000048  }
0xbd: {  	_ =	sfence  }
0xbe: {  	s30 =	sld [smem:$0x0];
	_ =	sdelay $0x2  }
0xbf: {  	s31 =	sshll.u32 s1, $0xD;
	s1 =	sshrl.u32 s1, $0x2  }
0xc0: {  	s3 =	sand.u32 $0x4000, s31;
	s1 =	sadd.s32 s1, s30  }
0xc1: {  	s0 =	sor.u32 s3, s0;
	s1 =	sshll.u32 s1, $0x11  }
0xc2: {  	s0 =	sor.u32 s1, s0  }
0xc3: {  	s0 =	sadd.s32 $0x8F2B, s0  }
0xc4: {  	[sflag:s0] =	ssyncadd.remote.s32 $0x1  }
0xc5: {  	_ =	sfence.sel $0xFFFF  }
0xc6: {  	[dreg:$0x0] =	wrdreg $0xFFFFFFFF;
	(pc) =	sbr.abs _section_cstart, $3  }
0xc7: {  	[dreg:$0x1] =	wrdreg $0xFFFFFFFF  }
0xc8: {  	_ =	task.clear_ibuf [dreg:s8], $0x2FFFF;
	_ =	strace $0x9FFFFFFF  }
0xc9: {  	(tm) =	ssettm $0x7FFFFFFF  }
tec
execute0_lowered:
.L_overlay_start_1:
0x0: {  	(tag) =	ssettag $0x1  }
0x1: {  	s4 =	rddreg [dreg:$0x0]  }
0x2: {  	s2 =	rddreg [dreg:$0x1]  }
0x3: {  	s5 =	rddreg [dreg:$0x2]  }
0x4: {  	s0 =	rddreg [dreg:$0x3]  }
0x5: {  	s6 =	srdreg.scid;
	s1 =	stileid.u32  }
0x6: {  	s3 =	simm.s32 $0x0;
	s10 =	simm.s32 $0x1;
	s11 =	simm.s32 $0x2100  }
0x7: {  	s12 =	simm.s32 $0x0;
	s6 =	sand.u32 $0x1, s6;
	s7 =	sshll.u32 s1, $0x1  }
0x8: {  	[smem:$0x7FF] =	sst s3;
	s7 =	sor.u32 s6, s7;
	s6 =	ssub.s32 $0x2, s6  }
0x9: {  	_ =	strace $0x80000047;
	s8 =	sshll.u32 s7, $0xA;
	s9 =	sshrl.u32 s6, $0x1  }
0xa: {  	s31 =	sshll.u32 s7, $0x5;
	s8 =	sadd.s32 s8, s5;
	s9 =	ssub.s32 s6, s9  }
0xb: {  	s4 =	sadd.s32 s4, s31;
	s5 =	sadd.s32 $0x8800, s8;
	s6 =	sadd.s32 $0x800, s8  }
0xc: {  	v0 =	vimm.f32 $0.0e+00;
	v1 =	vimm.f32 $1.000000000e+00;
	s7 =	smax.u32 s9, $0x1;
	s8 =	simm.s32 $0x2;
	s9 =	simm.s32 $0x100  }
.LBB2_1:
0xd: {  	[tilespmem:s3], [sflag:$0x2] =	stream.linear.gather [hbm4b:s4+s3], $0x100, $0x38;
	[tilespmem:$0x4100] =	vst v63  }
0xe: {  	_ =	swait.ge [sflag:s8], $0x100  }
0xf: {  	[sflag:s8] =	ssyncset.done $0x0  }
0x10: {  	[sflag:s8] =	ssyncadd.s32 $0xFFFFFF00  }
0x11: {  	[tilespmem:s9], [sflag:$0x1] =	stream.indirect.gather [hbm4b:s2+s9], $0x20, s3, s9, $0xb8;
	[tilespmem:$0x4100] =	vst v63  }
0x12: {  	_ =	swait.ge [sflag:s10], $0x2000  }
0x13: {  	[sflag:s10] =	ssyncset.done $0x0  }
0x14: {  	[sflag:s10] =	ssyncadd.s32 $0xFFFFE000  }
0x15: {  	[hbm4b:s5+s3] =	stream.linear.scatter [tilespmem:s9], [sflag:$0x2], $0x2000, $0x38;
	[tilespmem:$0x4100] =	vst v63  }
0x16: {  	_ =	swait.ge [sflag:s8], $0x2000  }
0x17: {  	[sflag:s8] =	ssyncset.done $0x0  }
0x18: {  	s13 =	simm.s32 $0x40;
	s14 =	simm.s32 $0x0;
	[sflag:s8] =	ssyncadd.s32 $0xFFFFE000  }
.LBB2_2:
0x19: {  	p0 =	sne.s32 s13, $0x7FC0;
	[tilespmem:s14+$0x2100] =	vst v0;
	s14 =	smov.u32 s13;
	s13 =	sadd.s32 $0x40, s13  }
.Ltmp0:
0x1a: {  	(pc) =	sbr.rel @p0 .LBB2_2-.Ltmp0, $2  }
0x1b: {  	_ =	sdelay $0x2  }
0x1c: {  	s14 =	sshra.s32 s14, $0x2  }
0x1d: {  	[tilespmem:s14+$0x2100] =	vst v0  }
0x1e: {  	v2 =	vld [tilespmem:$0x0];
	_ =	sdelay $0x7  }
0x1f: {  	[tilespmem:v2+s11+$0x0] =	vst.idx.add.f32.msk $0xffff, v1  }
0x20: {  	v2 =	vld [tilespmem:$0x10];
	_ =	sdelay $0x7  }
0x21: {  	[tilespmem:v2+s11+$0x0] =	vst.idx.add.f32.msk $0xffff, v1  }
0x22: {  	v2 =	vld [tilespmem:$0x20];
	_ =	sdelay $0x7  }
0x23: {  	[tilespmem:v2+s11+$0x0] =	vst.idx.add.f32.msk $0xffff, v1  }
0x24: {  	v2 =	vld [tilespmem:$0x30];
	_ =	sdelay $0x7  }
0x25: {  	[tilespmem:v2+s11+$0x0] =	vst.idx.add.f32.msk $0xffff, v1  }
0x26: {  	v2 =	vld [tilespmem:$0x40];
	_ =	sdelay $0x7  }
0x27: {  	[tilespmem:v2+s11+$0x0] =	vst.idx.add.f32.msk $0xffff, v1  }
0x28: {  	v2 =	vld [tilespmem:$0x50];
	_ =	sdelay $0x7  }
0x29: {  	[tilespmem:v2+s11+$0x0] =	vst.idx.add.f32.msk $0xffff, v1  }
0x2a: {  	v2 =	vld [tilespmem:$0x60];
	_ =	sdelay $0x7  }
0x2b: {  	[tilespmem:v2+s11+$0x0] =	vst.idx.add.f32.msk $0xffff, v1  }
0x2c: {  	v2 =	vld [tilespmem:$0x70];
	_ =	sdelay $0x7  }
0x2d: {  	[tilespmem:v2+s11+$0x0] =	vst.idx.add.f32.msk $0xffff, v1  }
0x2e: {  	v2 =	vld [tilespmem:$0x80];
	_ =	sdelay $0x7  }
0x2f: {  	[tilespmem:v2+s11+$0x0] =	vst.idx.add.f32.msk $0xffff, v1  }
0x30: {  	v2 =	vld [tilespmem:$0x90];
	_ =	sdelay $0x7  }
0x31: {  	[tilespmem:v2+s11+$0x0] =	vst.idx.add.f32.msk $0xffff, v1  }
0x32: {  	v2 =	vld [tilespmem:$0xA0];
	_ =	sdelay $0x7  }
0x33: {  	[tilespmem:v2+s11+$0x0] =	vst.idx.add.f32.msk $0xffff, v1  }
0x34: {  	v2 =	vld [tilespmem:$0xB0];
	_ =	sdelay $0x7  }
0x35: {  	[tilespmem:v2+s11+$0x0] =	vst.idx.add.f32.msk $0xffff, v1  }
0x36: {  	v2 =	vld [tilespmem:$0xC0];
	_ =	sdelay $0x7  }
0x37: {  	[tilespmem:v2+s11+$0x0] =	vst.idx.add.f32.msk $0xffff, v1  }
0x38: {  	v2 =	vld [tilespmem:$0xD0];
	_ =	sdelay $0x7  }
0x39: {  	[tilespmem:v2+s11+$0x0] =	vst.idx.add.f32.msk $0xffff, v1  }
0x3a: {  	v2 =	vld [tilespmem:$0xE0];
	_ =	sdelay $0x7  }
0x3b: {  	[tilespmem:v2+s11+$0x0] =	vst.idx.add.f32.msk $0xffff, v1  }
0x3c: {  	v2 =	vld [tilespmem:$0xF0];
	_ =	sdelay $0x5  }
0x3d: {  	s12 =	sadd.s32 $0x1, s12  }
0x3e: {  	p0 =	sne.s32 s12, s7  }
.Ltmp1:
0x3f: {  	[tilespmem:v2+s11+$0x0] =	vst.idx.add.f32.msk $0xffff, v1;
	(pc) =	sbr.rel @p0 .LBB2_1-.Ltmp1, $4  }
0x40: {  	[hbm4b:s6+s3] =	stream.linear.scatter [tilespmem:s11], [sflag:$0x2], $0x2000, $0x38;
	[tilespmem:$0x4100] =	vst v63  }
0x41: {  	_ =	swait.ge [sflag:s8], $0x2000  }
0x42: {  	[sflag:s8] =	ssyncset.done $0x0  }
0x43: {  	[sflag:s8] =	ssyncadd.s32 $0xFFFFE000  }
0x44: {  	_ =	sfence.sel $0x180000  }
0x45: {  	[bflag:$0x0] =	sbarrier.arrive $0xFFFF  }
0x46: {  	p0 =	sne.s32 s1, $0x0;
	_ =	strace $0x90000047  }
0x47: {  	s0 =	sadd.s32 @!p0 $0x100000, s0;
	[bflag:$0x2] =	sbarrier.arrive $0xFFFF  }
0x48: {  	[sflag:s0] =	ssyncadd.tile.s32 @!p0 $0x1;
	_ =	shalt  }
.Lfunc_end2:
_tile_overlayer_lowered:
.L_overlay_start_2:
0x49: {  	(tag) =	ssettag $0x2  }
0x4a: {  	s0 =	rddreg [dreg:$0x0];
	s2 =	stileid.u32  }
0x4b: {  	s1 =	rddreg [dreg:$0x1];
	p0 =	sne.s32 s2, $0x0  }
0x4c: {  	s3 =	rddreg [dreg:$0x2];
	[bflag:$0x3] =	sbarrier.arrive $0xFFFF;
	s2 =	simm.s32 @!p0 $0x1C02  }
0x4d: {  	[timem:s3], [sflag:s2] =	dma.local @!p0 [hbm:s0], s1  }
0x4e: {  	s0 =	simm.s32 @!p0 $0x2  }
0x4f: {  	_ =	swait.ge @!p0 [sflag:s0], s1  }
0x50: {  	s1 =	ssub.s32 @!p0 $0x0, s1;
	[sflag:s0] =	ssyncset.done @!p0 $0x0  }
0x51: {  	[sflag:s0] =	ssyncadd.s32 @!p0 s1  }
0x52: {  	[bflag:$0x3] =	sbarrier.arrive $0xFFFF  }
0x53: {  	_ =	shalt  }

</sc_bundles>
